<compile_context>
chip_gen: v7x
topology: tpu7x:2x2x1
jax: 0.10.2.dev20260603
libtpu: 0.0.44.dev20260713+nightly
codegen_flags: <defaults>
</compile_context>

<pallas_src>
import functools

import jax
import jax.numpy as jnp
from jax import lax
from jax.experimental import pallas as pl
from jax.experimental.pallas import tpu as pltpu
from jax.experimental.pallas import tpu_sc as plsc

DIM = 1024
MAX_SEQ_LEN = 8192
SCALE = DIM ** (-0.5)

NUM_CORES = 2
NUM_SUBCORES = 16
NW = NUM_CORES * NUM_SUBCORES
ROWS_W = MAX_SEQ_LEN // NW
CROWS = 8
NCHUNK = ROWS_W // CROWS
RING = 8
LANES = 16
CGROUPS = DIM // LANES

_mesh = plsc.VectorSubcoreMesh(core_axis_name="c", subcore_axis_name="s")


@functools.partial(
    pl.kernel,
    mesh=_mesh,
    out_type=jax.ShapeDtypeStruct((MAX_SEQ_LEN, DIM), jnp.float32),
    scratch_types=[
        pltpu.VMEM((RING * CROWS, DIM), jnp.float32),
        pltpu.VMEM((RING * CROWS, DIM), jnp.float32),
        pltpu.SemaphoreType.DMA((RING,)),
        pltpu.SemaphoreType.DMA((RING,)),
    ],
    compiler_params=pltpu.CompilerParams(use_tc_tiling_on_sc=True),
)
def _scale_copy(emb_hbm, out_hbm, gbuf, sbuf, gsem, ssem):
    wid = lax.axis_index("s") * NUM_CORES + lax.axis_index("c")
    base = wid * ROWS_W

    def rows(c):
        return pl.ds(base + c * CROWS, CROWS)

    def slot(c):
        return lax.rem(c, RING)

    def gather_start(c):
        b = slot(c)
        pltpu.async_copy(
            emb_hbm.at[rows(c), :],
            gbuf.at[pl.ds(b * CROWS, CROWS), :],
            gsem.at[b],
        )

    def gather_wait(c):
        b = slot(c)
        pltpu.make_async_copy(
            emb_hbm.at[rows(c), :],
            gbuf.at[pl.ds(b * CROWS, CROWS), :],
            gsem.at[b],
        ).wait()

    def scatter_start(c):
        b = slot(c)
        pltpu.async_copy(
            sbuf.at[pl.ds(b * CROWS, CROWS), :],
            out_hbm.at[rows(c), :],
            ssem.at[b],
        )

    def scatter_wait(c):
        b = slot(c)
        pltpu.make_async_copy(
            sbuf.at[pl.ds(b * CROWS, CROWS), :],
            out_hbm.at[rows(c), :],
            ssem.at[b],
        ).wait()

    for k in range(RING):
        gather_start(k)

    def chunk_body(c, carry):
        gather_wait(c)

        @pl.when(c >= RING)
        def _():
            scatter_wait(c - RING)

        b = slot(c)
        goff = b * CROWS
        soff = b * CROWS

        @plsc.parallel_loop(0, CROWS * CGROUPS, unroll=8)
        def _mul(i):
            r = i >> 6
            sl = pl.ds((i & (CGROUPS - 1)) * LANES, LANES)
            sbuf[soff + r, sl] = gbuf[goff + r, sl] * SCALE

        scatter_start(c)

        @pl.when(c + RING < NCHUNK)
        def _():
            gather_start(c + RING)

        return carry

    lax.fori_loop(0, NCHUNK, chunk_body, 0)
    for k in range(NCHUNK - RING, NCHUNK):
        scatter_wait(k)


def kernel(x, emb):
    seq_len = x.shape[1]
    return _scale_copy(emb)[:seq_len]

# --- scband reference (transcript-rebuilt; emitter-appended) ---
"""Pipeline reference for scband-absolute-positional-embedding-17463337025720 (READ-ONLY COPY).

The authoritative reference and input builder live on the scoring server;
editing this copy changes nothing except your own understanding.
"""

import jax, jax.numpy as jnp
import numpy as np

DIM = 1024
MAX_SEQ_LEN = 8192
SCALE = DIM ** (-0.5)


def setup_inputs(seed: int = 0) -> dict:
    key = jax.random.key(seed)
    k1, k2 = jax.random.split(key)
    x = jax.random.normal(k1, (2, 8192, DIM), dtype=jnp.float32)
    # nn.Embedding weight: [max_seq_len, dim], init ~ N(0, 1)
    emb = jax.random.normal(k2, (MAX_SEQ_LEN, DIM), dtype=jnp.float32)
    return {"x": x, "emb": emb}


def reference(x, emb):
    seq_len = x.shape[1]
    assert seq_len <= MAX_SEQ_LEN
    pos = jnp.arange(seq_len, dtype=jnp.int32)
    pos_emb = jnp.take(emb, pos, axis=0)
    pos_emb = pos_emb * SCALE
    return pos_emb

if __name__ == "__main__":
    import jax
    _d = setup_inputs()
    print(jax.jit(kernel)(*tuple(_d.values())))

</pallas_src>

<mosaic_0001>
#map = affine_map<(d0, d1) -> (0, 0)>
module attributes {stable_mosaic.version = 14 : i64} {
  func.func @_scale_copy(%arg0: i32, %arg1: i32, %arg2: memref<8192x1024xf32, #tpu.memory_space<hbm>>, %arg3: memref<8192x1024xf32, #tpu.memory_space<hbm>>, %arg4: memref<64x1024xf32, #tpu.memory_space<vmem>>, %arg5: memref<64x1024xf32, #tpu.memory_space<vmem>>, %arg6: memref<8x!tpu.dma_semaphore, #tpu.memory_space<semaphore_mem>>, %arg7: memref<8x!tpu.dma_semaphore, #tpu.memory_space<semaphore_mem>>) attributes {dimension_semantics = [#tpu.dimension_semantics<core_parallel>, #tpu.dimension_semantics<subcore_parallel>], iteration_bounds = array<i64: 2, 16>, scalar_prefetch = 0 : i64, scratch_operands = 4 : i64, tpu.core_type = #tpu.core_type<sc_vector_subcore>, window_params = [{transform_indices = #map}, {transform_indices = #map}]} {
    %mul3A = arith.constant 2 : i32
    %mul3A_0 = arith.muli %arg1, %mul3A : i32
    %add3A = arith.addi %mul3A_0, %arg0 : i32
    %mul3A_1 = arith.constant 256 : i32
    %mul3A_2 = arith.muli %add3A, %mul3A_1 : i32
    %rem3A = arith.constant 0 : i32
    %rem3A_3 = arith.constant 8 : i32
    %rem3A_4 = arith.remsi %rem3A, %rem3A_3 : i32
    %add3A_5 = arith.constant 0 : i32
    %add3A_6 = arith.addi %mul3A_2, %add3A_5 : i32
    %mul3A_7 = arith.constant 8 : i32
    %mul3A_8 = arith.muli %rem3A_4, %mul3A_7 : i32
    %dma_start3A = arith.constant 0 : i32
    %dma_start3A_9 = tpu.memref_slice %arg4[%mul3A_8, %dma_start3A] : memref<64x1024xf32, #tpu.memory_space<vmem>> -> memref<8x1024xf32, #tpu.memory_space<vmem>>
    %dma_start3A_10 = arith.constant 0 : i32
    %dma_start3A_11 = tpu.memref_slice %arg2[%add3A_6, %dma_start3A_10] : memref<8192x1024xf32, #tpu.memory_space<hbm>> -> memref<8x1024xf32, #tpu.memory_space<hbm>>
    %dma_start3A_12 = tpu.memref_slice %arg6[%rem3A_4] : memref<8x!tpu.dma_semaphore, #tpu.memory_space<semaphore_mem>> -> memref<1x!tpu.dma_semaphore, #tpu.memory_space<semaphore_mem>>
    %dma_start3A_13 = tpu.memref_squeeze %dma_start3A_12 : memref<1x!tpu.dma_semaphore, #tpu.memory_space<semaphore_mem>> -> memref<!tpu.dma_semaphore, #tpu.memory_space<semaphore_mem>>
    %dma_start3A_14 = arith.constant 0 : i32
    %dma_start3A_15 = tpu.memref_slice %arg4[%mul3A_8, %dma_start3A_14] : memref<64x1024xf32, #tpu.memory_space<vmem>> -> memref<8x1024xf32, #tpu.memory_space<vmem>>
    %dma_start3A_16 = arith.constant 0 : i32
    %dma_start3A_17 = tpu.memref_slice %arg2[%add3A_6, %dma_start3A_16] : memref<8192x1024xf32, #tpu.memory_space<hbm>> -> memref<8x1024xf32, #tpu.memory_space<hbm>>
    tpu.enqueue_dma source(%dma_start3A_17 : memref<8x1024xf32, #tpu.memory_space<hbm>>) target(%dma_start3A_15 : memref<8x1024xf32, #tpu.memory_space<vmem>>) target_semaphore(%dma_start3A_13 : memref<!tpu.dma_semaphore, #tpu.memory_space<semaphore_mem>>)
    %rem3A_18 = arith.constant 1 : i32
    %rem3A_19 = arith.constant 8 : i32
    %rem3A_20 = arith.remsi %rem3A_18, %rem3A_19 : i32
    %add3A_21 = arith.constant 8 : i32
    %add3A_22 = arith.addi %mul3A_2, %add3A_21 : i32
    %mul3A_23 = arith.constant 8 : i32
    %mul3A_24 = arith.muli %rem3A_20, %mul3A_23 : i32
    %dma_start3A_25 = arith.constant 0 : i32
    %dma_start3A_26 = tpu.memref_slice %arg4[%mul3A_24, %dma_start3A_25] : memref<64x1024xf32, #tpu.memory_space<vmem>> -> memref<8x1024xf32, #tpu.memory_space<vmem>>
    %dma_start3A_27 = arith.constant 0 : i32
    %dma_start3A_28 = tpu.memref_slice %arg2[%add3A_22, %dma_start3A_27] : memref<8192x1024xf32, #tpu.memory_space<hbm>> -> memref<8x1024xf32, #tpu.memory_space<hbm>>
    %dma_start3A_29 = tpu.memref_slice %arg6[%rem3A_20] : memref<8x!tpu.dma_semaphore, #tpu.memory_space<semaphore_mem>> -> memref<1x!tpu.dma_semaphore, #tpu.memory_space<semaphore_mem>>
    %dma_start3A_30 = tpu.memref_squeeze %dma_start3A_29 : memref<1x!tpu.dma_semaphore, #tpu.memory_space<semaphore_mem>> -> memref<!tpu.dma_semaphore, #tpu.memory_space<semaphore_mem>>
    %dma_start3A_31 = arith.constant 0 : i32
    %dma_start3A_32 = tpu.memref_slice %arg4[%mul3A_24, %dma_start3A_31] : memref<64x1024xf32, #tpu.memory_space<vmem>> -> memref<8x1024xf32, #tpu.memory_space<vmem>>
    %dma_start3A_33 = arith.constant 0 : i32
    %dma_start3A_34 = tpu.memref_slice %arg2[%add3A_22, %dma_start3A_33] : memref<8192x1024xf32, #tpu.memory_space<hbm>> -> memref<8x1024xf32, #tpu.memory_space<hbm>>
    tpu.enqueue_dma source(%dma_start3A_34 : memref<8x1024xf32, #tpu.memory_space<hbm>>) target(%dma_start3A_32 : memref<8x1024xf32, #tpu.memory_space<vmem>>) target_semaphore(%dma_start3A_30 : memref<!tpu.dma_semaphore, #tpu.memory_space<semaphore_mem>>)
    %rem3A_35 = arith.constant 2 : i32
    %rem3A_36 = arith.constant 8 : i32
    %rem3A_37 = arith.remsi %rem3A_35, %rem3A_36 : i32
    %add3A_38 = arith.constant 16 : i32
    %add3A_39 = arith.addi %mul3A_2, %add3A_38 : i32
    %mul3A_40 = arith.constant 8 : i32
    %mul3A_41 = arith.muli %rem3A_37, %mul3A_40 : i32
    %dma_start3A_42 = arith.constant 0 : i32
    %dma_start3A_43 = tpu.memref_slice %arg4[%mul3A_41, %dma_start3A_42] : memref<64x1024xf32, #tpu.memory_space<vmem>> -> memref<8x1024xf32, #tpu.memory_space<vmem>>
    %dma_start3A_44 = arith.constant 0 : i32
    %dma_start3A_45 = tpu.memref_slice %arg2[%add3A_39, %dma_start3A_44] : memref<8192x1024xf32, #tpu.memory_space<hbm>> -> memref<8x1024xf32, #tpu.memory_space<hbm>>
    %dma_start3A_46 = tpu.memref_slice %arg6[%rem3A_37] : memref<8x!tpu.dma_semaphore, #tpu.memory_space<semaphore_mem>> -> memref<1x!tpu.dma_semaphore, #tpu.memory_space<semaphore_mem>>
    %dma_start3A_47 = tpu.memref_squeeze %dma_start3A_46 : memref<1x!tpu.dma_semaphore, #tpu.memory_space<semaphore_mem>> -> memref<!tpu.dma_semaphore, #tpu.memory_space<semaphore_mem>>
    %dma_start3A_48 = arith.constant 0 : i32
    %dma_start3A_49 = tpu.memref_slice %arg4[%mul3A_41, %dma_start3A_48] : memref<64x1024xf32, #tpu.memory_space<vmem>> -> memref<8x1024xf32, #tpu.memory_space<vmem>>
    %dma_start3A_50 = arith.constant 0 : i32
    %dma_start3A_51 = tpu.memref_slice %arg2[%add3A_39, %dma_start3A_50] : memref<8192x1024xf32, #tpu.memory_space<hbm>> -> memref<8x1024xf32, #tpu.memory_space<hbm>>
    tpu.enqueue_dma source(%dma_start3A_51 : memref<8x1024xf32, #tpu.memory_space<hbm>>) target(%dma_start3A_49 : memref<8x1024xf32, #tpu.memory_space<vmem>>) target_semaphore(%dma_start3A_47 : memref<!tpu.dma_semaphore, #tpu.memory_space<semaphore_mem>>)
    %rem3A_52 = arith.constant 3 : i32
    %rem3A_53 = arith.constant 8 : i32
    %rem3A_54 = arith.remsi %rem3A_52, %rem3A_53 : i32
    %add3A_55 = arith.constant 24 : i32
    %add3A_56 = arith.addi %mul3A_2, %add3A_55 : i32
    %mul3A_57 = arith.constant 8 : i32
    %mul3A_58 = arith.muli %rem3A_54, %mul3A_57 : i32
    %dma_start3A_59 = arith.constant 0 : i32
    %dma_start3A_60 = tpu.memref_slice %arg4[%mul3A_58, %dma_start3A_59] : memref<64x1024xf32, #tpu.memory_space<vmem>> -> memref<8x1024xf32, #tpu.memory_space<vmem>>
    %dma_start3A_61 = arith.constant 0 : i32
    %dma_start3A_62 = tpu.memref_slice %arg2[%add3A_56, %dma_start3A_61] : memref<8192x1024xf32, #tpu.memory_space<hbm>> -> memref<8x1024xf32, #tpu.memory_space<hbm>>
    %dma_start3A_63 = tpu.memref_slice %arg6[%rem3A_54] : memref<8x!tpu.dma_semaphore, #tpu.memory_space<semaphore_mem>> -> memref<1x!tpu.dma_semaphore, #tpu.memory_space<semaphore_mem>>
    %dma_start3A_64 = tpu.memref_squeeze %dma_start3A_63 : memref<1x!tpu.dma_semaphore, #tpu.memory_space<semaphore_mem>> -> memref<!tpu.dma_semaphore, #tpu.memory_space<semaphore_mem>>
    %dma_start3A_65 = arith.constant 0 : i32
    %dma_start3A_66 = tpu.memref_slice %arg4[%mul3A_58, %dma_start3A_65] : memref<64x1024xf32, #tpu.memory_space<vmem>> -> memref<8x1024xf32, #tpu.memory_space<vmem>>
    %dma_start3A_67 = arith.constant 0 : i32
    %dma_start3A_68 = tpu.memref_slice %arg2[%add3A_56, %dma_start3A_67] : memref<8192x1024xf32, #tpu.memory_space<hbm>> -> memref<8x1024xf32, #tpu.memory_space<hbm>>
    tpu.enqueue_dma source(%dma_start3A_68 : memref<8x1024xf32, #tpu.memory_space<hbm>>) target(%dma_start3A_66 : memref<8x1024xf32, #tpu.memory_space<vmem>>) target_semaphore(%dma_start3A_64 : memref<!tpu.dma_semaphore, #tpu.memory_space<semaphore_mem>>)
    %rem3A_69 = arith.constant 4 : i32
    %rem3A_70 = arith.constant 8 : i32
    %rem3A_71 = arith.remsi %rem3A_69, %rem3A_70 : i32
    %add3A_72 = arith.constant 32 : i32
    %add3A_73 = arith.addi %mul3A_2, %add3A_72 : i32
    %mul3A_74 = arith.constant 8 : i32
    %mul3A_75 = arith.muli %rem3A_71, %mul3A_74 : i32
    %dma_start3A_76 = arith.constant 0 : i32
    %dma_start3A_77 = tpu.memref_slice %arg4[%mul3A_75, %dma_start3A_76] : memref<64x1024xf32, #tpu.memory_space<vmem>> -> memref<8x1024xf32, #tpu.memory_space<vmem>>
    %dma_start3A_78 = arith.constant 0 : i32
    %dma_start3A_79 = tpu.memref_slice %arg2[%add3A_73, %dma_start3A_78] : memref<8192x1024xf32, #tpu.memory_space<hbm>> -> memref<8x1024xf32, #tpu.memory_space<hbm>>
    %dma_start3A_80 = tpu.memref_slice %arg6[%rem3A_71] : memref<8x!tpu.dma_semaphore, #tpu.memory_space<semaphore_mem>> -> memref<1x!tpu.dma_semaphore, #tpu.memory_space<semaphore_mem>>
    %dma_start3A_81 = tpu.memref_squeeze %dma_start3A_80 : memref<1x!tpu.dma_semaphore, #tpu.memory_space<semaphore_mem>> -> memref<!tpu.dma_semaphore, #tpu.memory_space<semaphore_mem>>
    %dma_start3A_82 = arith.constant 0 : i32
    %dma_start3A_83 = tpu.memref_slice %arg4[%mul3A_75, %dma_start3A_82] : memref<64x1024xf32, #tpu.memory_space<vmem>> -> memref<8x1024xf32, #tpu.memory_space<vmem>>
    %dma_start3A_84 = arith.constant 0 : i32
    %dma_start3A_85 = tpu.memref_slice %arg2[%add3A_73, %dma_start3A_84] : memref<8192x1024xf32, #tpu.memory_space<hbm>> -> memref<8x1024xf32, #tpu.memory_space<hbm>>
    tpu.enqueue_dma source(%dma_start3A_85 : memref<8x1024xf32, #tpu.memory_space<hbm>>) target(%dma_start3A_83 : memref<8x1024xf32, #tpu.memory_space<vmem>>) target_semaphore(%dma_start3A_81 : memref<!tpu.dma_semaphore, #tpu.memory_space<semaphore_mem>>)
    %rem3A_86 = arith.constant 5 : i32
    %rem3A_87 = arith.constant 8 : i32
    %rem3A_88 = arith.remsi %rem3A_86, %rem3A_87 : i32
    %add3A_89 = arith.constant 40 : i32
    %add3A_90 = arith.addi %mul3A_2, %add3A_89 : i32
    %mul3A_91 = arith.constant 8 : i32
    %mul3A_92 = arith.muli %rem3A_88, %mul3A_91 : i32
    %dma_start3A_93 = arith.constant 0 : i32
    %dma_start3A_94 = tpu.memref_slice %arg4[%mul3A_92, %dma_start3A_93] : memref<64x1024xf32, #tpu.memory_space<vmem>> -> memref<8x1024xf32, #tpu.memory_space<vmem>>
    %dma_start3A_95 = arith.constant 0 : i32
    %dma_start3A_96 = tpu.memref_slice %arg2[%add3A_90, %dma_start3A_95] : memref<8192x1024xf32, #tpu.memory_space<hbm>> -> memref<8x1024xf32, #tpu.memory_space<hbm>>
    %dma_start3A_97 = tpu.memref_slice %arg6[%rem3A_88] : memref<8x!tpu.dma_semaphore, #tpu.memory_space<semaphore_mem>> -> memref<1x!tpu.dma_semaphore, #tpu.memory_space<semaphore_mem>>
    %dma_start3A_98 = tpu.memref_squeeze %dma_start3A_97 : memref<1x!tpu.dma_semaphore, #tpu.memory_space<semaphore_mem>> -> memref<!tpu.dma_semaphore, #tpu.memory_space<semaphore_mem>>
    %dma_start3A_99 = arith.constant 0 : i32
    %dma_start3A_100 = tpu.memref_slice %arg4[%mul3A_92, %dma_start3A_99] : memref<64x1024xf32, #tpu.memory_space<vmem>> -> memref<8x1024xf32, #tpu.memory_space<vmem>>
    %dma_start3A_101 = arith.constant 0 : i32
    %dma_start3A_102 = tpu.memref_slice %arg2[%add3A_90, %dma_start3A_101] : memref<8192x1024xf32, #tpu.memory_space<hbm>> -> memref<8x1024xf32, #tpu.memory_space<hbm>>
    tpu.enqueue_dma source(%dma_start3A_102 : memref<8x1024xf32, #tpu.memory_space<hbm>>) target(%dma_start3A_100 : memref<8x1024xf32, #tpu.memory_space<vmem>>) target_semaphore(%dma_start3A_98 : memref<!tpu.dma_semaphore, #tpu.memory_space<semaphore_mem>>)
    %rem3A_103 = arith.constant 6 : i32
    %rem3A_104 = arith.constant 8 : i32
    %rem3A_105 = arith.remsi %rem3A_103, %rem3A_104 : i32
    %add3A_106 = arith.constant 48 : i32
    %add3A_107 = arith.addi %mul3A_2, %add3A_106 : i32
    %mul3A_108 = arith.constant 8 : i32
    %mul3A_109 = arith.muli %rem3A_105, %mul3A_108 : i32
    %dma_start3A_110 = arith.constant 0 : i32
    %dma_start3A_111 = tpu.memref_slice %arg4[%mul3A_109, %dma_start3A_110] : memref<64x1024xf32, #tpu.memory_space<vmem>> -> memref<8x1024xf32, #tpu.memory_space<vmem>>
    %dma_start3A_112 = arith.constant 0 : i32
    %dma_start3A_113 = tpu.memref_slice %arg2[%add3A_107, %dma_start3A_112] : memref<8192x1024xf32, #tpu.memory_space<hbm>> -> memref<8x1024xf32, #tpu.memory_space<hbm>>
    %dma_start3A_114 = tpu.memref_slice %arg6[%rem3A_105] : memref<8x!tpu.dma_semaphore, #tpu.memory_space<semaphore_mem>> -> memref<1x!tpu.dma_semaphore, #tpu.memory_space<semaphore_mem>>
    %dma_start3A_115 = tpu.memref_squeeze %dma_start3A_114 : memref<1x!tpu.dma_semaphore, #tpu.memory_space<semaphore_mem>> -> memref<!tpu.dma_semaphore, #tpu.memory_space<semaphore_mem>>
    %dma_start3A_116 = arith.constant 0 : i32
    %dma_start3A_117 = tpu.memref_slice %arg4[%mul3A_109, %dma_start3A_116] : memref<64x1024xf32, #tpu.memory_space<vmem>> -> memref<8x1024xf32, #tpu.memory_space<vmem>>
    %dma_start3A_118 = arith.constant 0 : i32
    %dma_start3A_119 = tpu.memref_slice %arg2[%add3A_107, %dma_start3A_118] : memref<8192x1024xf32, #tpu.memory_space<hbm>> -> memref<8x1024xf32, #tpu.memory_space<hbm>>
    tpu.enqueue_dma source(%dma_start3A_119 : memref<8x1024xf32, #tpu.memory_space<hbm>>) target(%dma_start3A_117 : memref<8x1024xf32, #tpu.memory_space<vmem>>) target_semaphore(%dma_start3A_115 : memref<!tpu.dma_semaphore, #tpu.memory_space<semaphore_mem>>)
    %rem3A_120 = arith.constant 7 : i32
    %rem3A_121 = arith.constant 8 : i32
    %rem3A_122 = arith.remsi %rem3A_120, %rem3A_121 : i32
    %add3A_123 = arith.constant 56 : i32
    %add3A_124 = arith.addi %mul3A_2, %add3A_123 : i32
    %mul3A_125 = arith.constant 8 : i32
    %mul3A_126 = arith.muli %rem3A_122, %mul3A_125 : i32
    %dma_start3A_127 = arith.constant 0 : i32
    %dma_start3A_128 = tpu.memref_slice %arg4[%mul3A_126, %dma_start3A_127] : memref<64x1024xf32, #tpu.memory_space<vmem>> -> memref<8x1024xf32, #tpu.memory_space<vmem>>
    %dma_start3A_129 = arith.constant 0 : i32
    %dma_start3A_130 = tpu.memref_slice %arg2[%add3A_124, %dma_start3A_129] : memref<8192x1024xf32, #tpu.memory_space<hbm>> -> memref<8x1024xf32, #tpu.memory_space<hbm>>
    %dma_start3A_131 = tpu.memref_slice %arg6[%rem3A_122] : memref<8x!tpu.dma_semaphore, #tpu.memory_space<semaphore_mem>> -> memref<1x!tpu.dma_semaphore, #tpu.memory_space<semaphore_mem>>
    %dma_start3A_132 = tpu.memref_squeeze %dma_start3A_131 : memref<1x!tpu.dma_semaphore, #tpu.memory_space<semaphore_mem>> -> memref<!tpu.dma_semaphore, #tpu.memory_space<semaphore_mem>>
    %dma_start3A_133 = arith.constant 0 : i32
    %dma_start3A_134 = tpu.memref_slice %arg4[%mul3A_126, %dma_start3A_133] : memref<64x1024xf32, #tpu.memory_space<vmem>> -> memref<8x1024xf32, #tpu.memory_space<vmem>>
    %dma_start3A_135 = arith.constant 0 : i32
    %dma_start3A_136 = tpu.memref_slice %arg2[%add3A_124, %dma_start3A_135] : memref<8192x1024xf32, #tpu.memory_space<hbm>> -> memref<8x1024xf32, #tpu.memory_space<hbm>>
    tpu.enqueue_dma source(%dma_start3A_136 : memref<8x1024xf32, #tpu.memory_space<hbm>>) target(%dma_start3A_134 : memref<8x1024xf32, #tpu.memory_space<vmem>>) target_semaphore(%dma_start3A_132 : memref<!tpu.dma_semaphore, #tpu.memory_space<semaphore_mem>>)
    %scan3A = arith.constant 0 : i32
    %scan3A_137 = arith.constant 0 : i32
    %scan3A_138 = arith.constant 32 : i32
    %scan3A_139 = arith.addi %scan3A_137, %scan3A_138 : i32
    %scan3A_140 = arith.constant 1 : i32
    scf.for %scan3A_277 = %scan3A_137 to %scan3A_139 step %scan3A_140  : i32 {
      %rem3A_278 = arith.constant 8 : i32
      %rem3A_279 = arith.remsi %scan3A_277, %rem3A_278 : i32
      %mul3A_280 = arith.constant 8 : i32
      %mul3A_281 = arith.muli %scan3A_277, %mul3A_280 : i32
      %add3A_282 = arith.addi %mul3A_2, %mul3A_281 : i32
      %mul3A_283 = arith.constant 8 : i32
      %mul3A_284 = arith.muli %rem3A_279, %mul3A_283 : i32
      %dma_wait3A_285 = arith.constant 0 : i32
      %dma_wait3A_286 = tpu.memref_slice %arg4[%mul3A_284, %dma_wait3A_285] : memref<64x1024xf32, #tpu.memory_space<vmem>> -> memref<8x1024xf32, #tpu.memory_space<vmem>>
      %dma_wait3A_287 = arith.constant 0 : i32
      %dma_wait3A_288 = tpu.memref_slice %arg2[%add3A_282, %dma_wait3A_287] : memref<8192x1024xf32, #tpu.memory_space<hbm>> -> memref<8x1024xf32, #tpu.memory_space<hbm>>
      %dma_wait3A_289 = tpu.memref_slice %arg6[%rem3A_279] : memref<8x!tpu.dma_semaphore, #tpu.memory_space<semaphore_mem>> -> memref<1x!tpu.dma_semaphore, #tpu.memory_space<semaphore_mem>>
      %dma_wait3A_290 = tpu.memref_squeeze %dma_wait3A_289 : memref<1x!tpu.dma_semaphore, #tpu.memory_space<semaphore_mem>> -> memref<!tpu.dma_semaphore, #tpu.memory_space<semaphore_mem>>
      %dma_wait3A_291 = arith.constant 0 : i32
      %dma_wait3A_292 = tpu.memref_slice %arg4[%mul3A_284, %dma_wait3A_291] : memref<64x1024xf32, #tpu.memory_space<vmem>> -> memref<8x1024xf32, #tpu.memory_space<vmem>>
      %dma_wait3A_293 = arith.constant 0 : i32
      %dma_wait3A_294 = tpu.memref_slice %arg2[%add3A_282, %dma_wait3A_293] : memref<8192x1024xf32, #tpu.memory_space<hbm>> -> memref<8x1024xf32, #tpu.memory_space<hbm>>
      tpu.wait_dma2 semaphore(%dma_wait3A_290 : memref<!tpu.dma_semaphore, #tpu.memory_space<semaphore_mem>>) src(%dma_wait3A_294 : memref<8x1024xf32, #tpu.memory_space<hbm>>) dst(%dma_wait3A_292 : memref<8x1024xf32, #tpu.memory_space<vmem>>)
      %ge3A = arith.constant 8 : i32
      %ge3A_295 = arith.cmpi sge, %scan3A_277, %ge3A : i32
      %convert_element_type3A = arith.extui %ge3A_295 : i1 to i32
      %cond3A = arith.constant 0 : i32
      %cond3A_296 = arith.cmpi ne, %convert_element_type3A, %cond3A : i32
      scf.if %cond3A_296 {
        %sub3A = arith.constant 8 : i32
        %sub3A_328 = arith.subi %scan3A_277, %sub3A : i32
        %rem3A_329 = arith.constant 8 : i32
        %rem3A_330 = arith.remsi %sub3A_328, %rem3A_329 : i32
        %mul3A_331 = arith.constant 8 : i32
        %mul3A_332 = arith.muli %rem3A_330, %mul3A_331 : i32
        %mul3A_333 = arith.constant 8 : i32
        %mul3A_334 = arith.muli %sub3A_328, %mul3A_333 : i32
        %add3A_335 = arith.addi %mul3A_2, %mul3A_334 : i32
        %dma_wait3A_336 = arith.constant 0 : i32
        %dma_wait3A_337 = tpu.memref_slice %arg5[%mul3A_332, %dma_wait3A_336] : memref<64x1024xf32, #tpu.memory_space<vmem>> -> memref<8x1024xf32, #tpu.memory_space<vmem>>
        %dma_wait3A_338 = arith.constant 0 : i32
        %dma_wait3A_339 = tpu.memref_slice %arg3[%add3A_335, %dma_wait3A_338] : memref<8192x1024xf32, #tpu.memory_space<hbm>> -> memref<8x1024xf32, #tpu.memory_space<hbm>>
        %dma_wait3A_340 = tpu.memref_slice %arg7[%rem3A_330] : memref<8x!tpu.dma_semaphore, #tpu.memory_space<semaphore_mem>> -> memref<1x!tpu.dma_semaphore, #tpu.memory_space<semaphore_mem>>
        %dma_wait3A_341 = tpu.memref_squeeze %dma_wait3A_340 : memref<1x!tpu.dma_semaphore, #tpu.memory_space<semaphore_mem>> -> memref<!tpu.dma_semaphore, #tpu.memory_space<semaphore_mem>>
        %dma_wait3A_342 = arith.constant 0 : i32
        %dma_wait3A_343 = tpu.memref_slice %arg3[%add3A_335, %dma_wait3A_342] : memref<8192x1024xf32, #tpu.memory_space<hbm>> -> memref<8x1024xf32, #tpu.memory_space<hbm>>
        %dma_wait3A_344 = arith.constant 0 : i32
        %dma_wait3A_345 = tpu.memref_slice %arg5[%mul3A_332, %dma_wait3A_344] : memref<64x1024xf32, #tpu.memory_space<vmem>> -> memref<8x1024xf32, #tpu.memory_space<vmem>>
        tpu.wait_dma2 semaphore(%dma_wait3A_341 : memref<!tpu.dma_semaphore, #tpu.memory_space<semaphore_mem>>) src(%dma_wait3A_345 : memref<8x1024xf32, #tpu.memory_space<vmem>>) dst(%dma_wait3A_343 : memref<8x1024xf32, #tpu.memory_space<hbm>>)
      } else {
      }
      %rem3A_297 = arith.constant 8 : i32
      %rem3A_298 = arith.remsi %scan3A_277, %rem3A_297 : i32
      %mul3A_299 = arith.constant 8 : i32
      %mul3A_300 = arith.muli %rem3A_298, %mul3A_299 : i32
      %mul3A_301 = arith.constant 8 : i32
      %mul3A_302 = arith.muli %rem3A_298, %mul3A_301 : i32
      %parallel_loop3A = arith.constant 0 : i32
      %parallel_loop3A_303 = arith.constant 512 : i32
      %parallel_loop3A_304 = arith.constant 1 : i32
      scf.for %parallel_loop3A_328 = %parallel_loop3A to %parallel_loop3A_303 step %parallel_loop3A_304  : i32 {
        %parallel_loop3A_329 = arith.constant 6 : i32
        %parallel_loop3A_330 = arith.shrsi %parallel_loop3A_328, %parallel_loop3A_329 : i32
        %parallel_loop3A_331 = arith.constant 63 : i32
        %parallel_loop3A_332 = arith.andi %parallel_loop3A_328, %parallel_loop3A_331 : i32
        %parallel_loop3A_333 = arith.constant 16 : i32
        %parallel_loop3A_334 = arith.muli %parallel_loop3A_332, %parallel_loop3A_333 : i32
        %parallel_loop3A_335 = arith.addi %mul3A_300, %parallel_loop3A_330 : i32
        %parallel_loop3A_336 = arith.index_cast %parallel_loop3A_335 : i32 to index
        %parallel_loop3A_337 = arith.index_cast %parallel_loop3A_334 : i32 to index
        %parallel_loop3A_338 = tpu.vector_load %arg4[%parallel_loop3A_336, %parallel_loop3A_337] {strides = array<i32>} : memref<64x1024xf32, #tpu.memory_space<vmem>>, vector<1x16xf32>,
        %parallel_loop3A_339 = vector.shape_cast %parallel_loop3A_338 : vector<1x16xf32> to vector<16xf32>
        %parallel_loop3A_340 = arith.constant 3.125000e-02 : f32
        %parallel_loop3A_341 = vector.broadcast %parallel_loop3A_340 : f32 to vector<16xf32>
        %parallel_loop3A_342 = arith.mulf %parallel_loop3A_339, %parallel_loop3A_341 : vector<16xf32>
        %parallel_loop3A_343 = arith.addi %mul3A_302, %parallel_loop3A_330 : i32
        %parallel_loop3A_344 = arith.index_cast %parallel_loop3A_343 : i32 to index
        %parallel_loop3A_345 = arith.index_cast %parallel_loop3A_334 : i32 to index
        %parallel_loop3A_346 = tpu.vector_load %arg5[%parallel_loop3A_344, %parallel_loop3A_345] {strides = array<i32>} : memref<64x1024xf32, #tpu.memory_space<vmem>>, vector<1x16xf32>,
        %parallel_loop3A_347 = vector.shape_cast %parallel_loop3A_346 : vector<1x16xf32> to vector<16xf32>
        %parallel_loop3A_348 = vector.shape_cast %parallel_loop3A_342 : vector<16xf32> to vector<1x16xf32>
        tpu.vector_store %arg5[%parallel_loop3A_344, %parallel_loop3A_345], %parallel_loop3A_348 {strides = array<i32>} : memref<64x1024xf32, #tpu.memory_space<vmem>>, vector<1x16xf32>,
      } {sc.loop_unroll_factor = 8 : i64, sc.parallel_access}
      %rem3A_305 = arith.constant 8 : i32
      %rem3A_306 = arith.remsi %scan3A_277, %rem3A_305 : i32
      %mul3A_307 = arith.constant 8 : i32
      %mul3A_308 = arith.muli %rem3A_306, %mul3A_307 : i32
      %mul3A_309 = arith.constant 8 : i32
      %mul3A_310 = arith.muli %scan3A_277, %mul3A_309 : i32
      %add3A_311 = arith.addi %mul3A_2, %mul3A_310 : i32
      %dma_start3A_312 = arith.constant 0 : i32
      %dma_start3A_313 = tpu.memref_slice %arg5[%mul3A_308, %dma_start3A_312] : memref<64x1024xf32, #tpu.memory_space<vmem>> -> memref<8x1024xf32, #tpu.memory_space<vmem>>
      %dma_start3A_314 = arith.constant 0 : i32
      %dma_start3A_315 = tpu.memref_slice %arg3[%add3A_311, %dma_start3A_314] : memref<8192x1024xf32, #tpu.memory_space<hbm>> -> memref<8x1024xf32, #tpu.memory_space<hbm>>
      %dma_start3A_316 = tpu.memref_slice %arg7[%rem3A_306] : memref<8x!tpu.dma_semaphore, #tpu.memory_space<semaphore_mem>> -> memref<1x!tpu.dma_semaphore, #tpu.memory_space<semaphore_mem>>
      %dma_start3A_317 = tpu.memref_squeeze %dma_start3A_316 : memref<1x!tpu.dma_semaphore, #tpu.memory_space<semaphore_mem>> -> memref<!tpu.dma_semaphore, #tpu.memory_space<semaphore_mem>>
      %dma_start3A_318 = arith.constant 0 : i32
      %dma_start3A_319 = tpu.memref_slice %arg3[%add3A_311, %dma_start3A_318] : memref<8192x1024xf32, #tpu.memory_space<hbm>> -> memref<8x1024xf32, #tpu.memory_space<hbm>>
      %dma_start3A_320 = arith.constant 0 : i32
      %dma_start3A_321 = tpu.memref_slice %arg5[%mul3A_308, %dma_start3A_320] : memref<64x1024xf32, #tpu.memory_space<vmem>> -> memref<8x1024xf32, #tpu.memory_space<vmem>>
      tpu.enqueue_dma source(%dma_start3A_321 : memref<8x1024xf32, #tpu.memory_space<vmem>>) target(%dma_start3A_319 : memref<8x1024xf32, #tpu.memory_space<hbm>>) target_semaphore(%dma_start3A_317 : memref<!tpu.dma_semaphore, #tpu.memory_space<semaphore_mem>>)
      %add3A_322 = arith.constant 8 : i32
      %add3A_323 = arith.addi %scan3A_277, %add3A_322 : i32
      %lt3A = arith.constant 32 : i32
      %lt3A_324 = arith.cmpi slt, %add3A_323, %lt3A : i32
      %convert_element_type3A_325 = arith.extui %lt3A_324 : i1 to i32
      %cond3A_326 = arith.constant 0 : i32
      %cond3A_327 = arith.cmpi ne, %convert_element_type3A_325, %cond3A_326 : i32
      scf.if %cond3A_327 {
        %add3A_328 = arith.constant 8 : i32
        %add3A_329 = arith.addi %scan3A_277, %add3A_328 : i32
        %rem3A_330 = arith.constant 8 : i32
        %rem3A_331 = arith.remsi %add3A_329, %rem3A_330 : i32
        %mul3A_332 = arith.constant 8 : i32
        %mul3A_333 = arith.muli %add3A_329, %mul3A_332 : i32
        %add3A_334 = arith.addi %mul3A_2, %mul3A_333 : i32
        %mul3A_335 = arith.constant 8 : i32
        %mul3A_336 = arith.muli %rem3A_331, %mul3A_335 : i32
        %dma_start3A_337 = arith.constant 0 : i32
        %dma_start3A_338 = tpu.memref_slice %arg4[%mul3A_336, %dma_start3A_337] : memref<64x1024xf32, #tpu.memory_space<vmem>> -> memref<8x1024xf32, #tpu.memory_space<vmem>>
        %dma_start3A_339 = arith.constant 0 : i32
        %dma_start3A_340 = tpu.memref_slice %arg2[%add3A_334, %dma_start3A_339] : memref<8192x1024xf32, #tpu.memory_space<hbm>> -> memref<8x1024xf32, #tpu.memory_space<hbm>>
        %dma_start3A_341 = tpu.memref_slice %arg6[%rem3A_331] : memref<8x!tpu.dma_semaphore, #tpu.memory_space<semaphore_mem>> -> memref<1x!tpu.dma_semaphore, #tpu.memory_space<semaphore_mem>>
        %dma_start3A_342 = tpu.memref_squeeze %dma_start3A_341 : memref<1x!tpu.dma_semaphore, #tpu.memory_space<semaphore_mem>> -> memref<!tpu.dma_semaphore, #tpu.memory_space<semaphore_mem>>
        %dma_start3A_343 = arith.constant 0 : i32
        %dma_start3A_344 = tpu.memref_slice %arg4[%mul3A_336, %dma_start3A_343] : memref<64x1024xf32, #tpu.memory_space<vmem>> -> memref<8x1024xf32, #tpu.memory_space<vmem>>
        %dma_start3A_345 = arith.constant 0 : i32
        %dma_start3A_346 = tpu.memref_slice %arg2[%add3A_334, %dma_start3A_345] : memref<8192x1024xf32, #tpu.memory_space<hbm>> -> memref<8x1024xf32, #tpu.memory_space<hbm>>
        tpu.enqueue_dma source(%dma_start3A_346 : memref<8x1024xf32, #tpu.memory_space<hbm>>) target(%dma_start3A_344 : memref<8x1024xf32, #tpu.memory_space<vmem>>) target_semaphore(%dma_start3A_342 : memref<!tpu.dma_semaphore, #tpu.memory_space<semaphore_mem>>)
      } else {
      }
    }
    %scan3A_141 = arith.constant 32 : i32
    %rem3A_142 = arith.constant 24 : i32
    %rem3A_143 = arith.constant 8 : i32
    %rem3A_144 = arith.remsi %rem3A_142, %rem3A_143 : i32
    %mul3A_145 = arith.constant 8 : i32
    %mul3A_146 = arith.muli %rem3A_144, %mul3A_145 : i32
    %add3A_147 = arith.constant 192 : i32
    %add3A_148 = arith.addi %mul3A_2, %add3A_147 : i32
    %dma_wait3A = arith.constant 0 : i32
    %dma_wait3A_149 = tpu.memref_slice %arg5[%mul3A_146, %dma_wait3A] : memref<64x1024xf32, #tpu.memory_space<vmem>> -> memref<8x1024xf32, #tpu.memory_space<vmem>>
    %dma_wait3A_150 = arith.constant 0 : i32
    %dma_wait3A_151 = tpu.memref_slice %arg3[%add3A_148, %dma_wait3A_150] : memref<8192x1024xf32, #tpu.memory_space<hbm>> -> memref<8x1024xf32, #tpu.memory_space<hbm>>
    %dma_wait3A_152 = tpu.memref_slice %arg7[%rem3A_144] : memref<8x!tpu.dma_semaphore, #tpu.memory_space<semaphore_mem>> -> memref<1x!tpu.dma_semaphore, #tpu.memory_space<semaphore_mem>>
    %dma_wait3A_153 = tpu.memref_squeeze %dma_wait3A_152 : memref<1x!tpu.dma_semaphore, #tpu.memory_space<semaphore_mem>> -> memref<!tpu.dma_semaphore, #tpu.memory_space<semaphore_mem>>
    %dma_wait3A_154 = arith.constant 0 : i32
    %dma_wait3A_155 = tpu.memref_slice %arg3[%add3A_148, %dma_wait3A_154] : memref<8192x1024xf32, #tpu.memory_space<hbm>> -> memref<8x1024xf32, #tpu.memory_space<hbm>>
    %dma_wait3A_156 = arith.constant 0 : i32
    %dma_wait3A_157 = tpu.memref_slice %arg5[%mul3A_146, %dma_wait3A_156] : memref<64x1024xf32, #tpu.memory_space<vmem>> -> memref<8x1024xf32, #tpu.memory_space<vmem>>
    tpu.wait_dma2 semaphore(%dma_wait3A_153 : memref<!tpu.dma_semaphore, #tpu.memory_space<semaphore_mem>>) src(%dma_wait3A_157 : memref<8x1024xf32, #tpu.memory_space<vmem>>) dst(%dma_wait3A_155 : memref<8x1024xf32, #tpu.memory_space<hbm>>)
    %rem3A_158 = arith.constant 25 : i32
    %rem3A_159 = arith.constant 8 : i32
    %rem3A_160 = arith.remsi %rem3A_158, %rem3A_159 : i32
    %mul3A_161 = arith.constant 8 : i32
    %mul3A_162 = arith.muli %rem3A_160, %mul3A_161 : i32
    %add3A_163 = arith.constant 200 : i32
    %add3A_164 = arith.addi %mul3A_2, %add3A_163 : i32
    %dma_wait3A_165 = arith.constant 0 : i32
    %dma_wait3A_166 = tpu.memref_slice %arg5[%mul3A_162, %dma_wait3A_165] : memref<64x1024xf32, #tpu.memory_space<vmem>> -> memref<8x1024xf32, #tpu.memory_space<vmem>>
    %dma_wait3A_167 = arith.constant 0 : i32
    %dma_wait3A_168 = tpu.memref_slice %arg3[%add3A_164, %dma_wait3A_167] : memref<8192x1024xf32, #tpu.memory_space<hbm>> -> memref<8x1024xf32, #tpu.memory_space<hbm>>
    %dma_wait3A_169 = tpu.memref_slice %arg7[%rem3A_160] : memref<8x!tpu.dma_semaphore, #tpu.memory_space<semaphore_mem>> -> memref<1x!tpu.dma_semaphore, #tpu.memory_space<semaphore_mem>>
    %dma_wait3A_170 = tpu.memref_squeeze %dma_wait3A_169 : memref<1x!tpu.dma_semaphore, #tpu.memory_space<semaphore_mem>> -> memref<!tpu.dma_semaphore, #tpu.memory_space<semaphore_mem>>
    %dma_wait3A_171 = arith.constant 0 : i32
    %dma_wait3A_172 = tpu.memref_slice %arg3[%add3A_164, %dma_wait3A_171] : memref<8192x1024xf32, #tpu.memory_space<hbm>> -> memref<8x1024xf32, #tpu.memory_space<hbm>>
    %dma_wait3A_173 = arith.constant 0 : i32
    %dma_wait3A_174 = tpu.memref_slice %arg5[%mul3A_162, %dma_wait3A_173] : memref<64x1024xf32, #tpu.memory_space<vmem>> -> memref<8x1024xf32, #tpu.memory_space<vmem>>
    tpu.wait_dma2 semaphore(%dma_wait3A_170 : memref<!tpu.dma_semaphore, #tpu.memory_space<semaphore_mem>>) src(%dma_wait3A_174 : memref<8x1024xf32, #tpu.memory_space<vmem>>) dst(%dma_wait3A_172 : memref<8x1024xf32, #tpu.memory_space<hbm>>)
    %rem3A_175 = arith.constant 26 : i32
    %rem3A_176 = arith.constant 8 : i32
    %rem3A_177 = arith.remsi %rem3A_175, %rem3A_176 : i32
    %mul3A_178 = arith.constant 8 : i32
    %mul3A_179 = arith.muli %rem3A_177, %mul3A_178 : i32
    %add3A_180 = arith.constant 208 : i32
    %add3A_181 = arith.addi %mul3A_2, %add3A_180 : i32
    %dma_wait3A_182 = arith.constant 0 : i32
    %dma_wait3A_183 = tpu.memref_slice %arg5[%mul3A_179, %dma_wait3A_182] : memref<64x1024xf32, #tpu.memory_space<vmem>> -> memref<8x1024xf32, #tpu.memory_space<vmem>>
    %dma_wait3A_184 = arith.constant 0 : i32
    %dma_wait3A_185 = tpu.memref_slice %arg3[%add3A_181, %dma_wait3A_184] : memref<8192x1024xf32, #tpu.memory_space<hbm>> -> memref<8x1024xf32, #tpu.memory_space<hbm>>
    %dma_wait3A_186 = tpu.memref_slice %arg7[%rem3A_177] : memref<8x!tpu.dma_semaphore, #tpu.memory_space<semaphore_mem>> -> memref<1x!tpu.dma_semaphore, #tpu.memory_space<semaphore_mem>>
    %dma_wait3A_187 = tpu.memref_squeeze %dma_wait3A_186 : memref<1x!tpu.dma_semaphore, #tpu.memory_space<semaphore_mem>> -> memref<!tpu.dma_semaphore, #tpu.memory_space<semaphore_mem>>
    %dma_wait3A_188 = arith.constant 0 : i32
    %dma_wait3A_189 = tpu.memref_slice %arg3[%add3A_181, %dma_wait3A_188] : memref<8192x1024xf32, #tpu.memory_space<hbm>> -> memref<8x1024xf32, #tpu.memory_space<hbm>>
    %dma_wait3A_190 = arith.constant 0 : i32
    %dma_wait3A_191 = tpu.memref_slice %arg5[%mul3A_179, %dma_wait3A_190] : memref<64x1024xf32, #tpu.memory_space<vmem>> -> memref<8x1024xf32, #tpu.memory_space<vmem>>
    tpu.wait_dma2 semaphore(%dma_wait3A_187 : memref<!tpu.dma_semaphore, #tpu.memory_space<semaphore_mem>>) src(%dma_wait3A_191 : memref<8x1024xf32, #tpu.memory_space<vmem>>) dst(%dma_wait3A_189 : memref<8x1024xf32, #tpu.memory_space<hbm>>)
    %rem3A_192 = arith.constant 27 : i32
    %rem3A_193 = arith.constant 8 : i32
    %rem3A_194 = arith.remsi %rem3A_192, %rem3A_193 : i32
    %mul3A_195 = arith.constant 8 : i32
    %mul3A_196 = arith.muli %rem3A_194, %mul3A_195 : i32
    %add3A_197 = arith.constant 216 : i32
    %add3A_198 = arith.addi %mul3A_2, %add3A_197 : i32
    %dma_wait3A_199 = arith.constant 0 : i32
    %dma_wait3A_200 = tpu.memref_slice %arg5[%mul3A_196, %dma_wait3A_199] : memref<64x1024xf32, #tpu.memory_space<vmem>> -> memref<8x1024xf32, #tpu.memory_space<vmem>>
    %dma_wait3A_201 = arith.constant 0 : i32
    %dma_wait3A_202 = tpu.memref_slice %arg3[%add3A_198, %dma_wait3A_201] : memref<8192x1024xf32, #tpu.memory_space<hbm>> -> memref<8x1024xf32, #tpu.memory_space<hbm>>
    %dma_wait3A_203 = tpu.memref_slice %arg7[%rem3A_194] : memref<8x!tpu.dma_semaphore, #tpu.memory_space<semaphore_mem>> -> memref<1x!tpu.dma_semaphore, #tpu.memory_space<semaphore_mem>>
    %dma_wait3A_204 = tpu.memref_squeeze %dma_wait3A_203 : memref<1x!tpu.dma_semaphore, #tpu.memory_space<semaphore_mem>> -> memref<!tpu.dma_semaphore, #tpu.memory_space<semaphore_mem>>
    %dma_wait3A_205 = arith.constant 0 : i32
    %dma_wait3A_206 = tpu.memref_slice %arg3[%add3A_198, %dma_wait3A_205] : memref<8192x1024xf32, #tpu.memory_space<hbm>> -> memref<8x1024xf32, #tpu.memory_space<hbm>>
    %dma_wait3A_207 = arith.constant 0 : i32
    %dma_wait3A_208 = tpu.memref_slice %arg5[%mul3A_196, %dma_wait3A_207] : memref<64x1024xf32, #tpu.memory_space<vmem>> -> memref<8x1024xf32, #tpu.memory_space<vmem>>
    tpu.wait_dma2 semaphore(%dma_wait3A_204 : memref<!tpu.dma_semaphore, #tpu.memory_space<semaphore_mem>>) src(%dma_wait3A_208 : memref<8x1024xf32, #tpu.memory_space<vmem>>) dst(%dma_wait3A_206 : memref<8x1024xf32, #tpu.memory_space<hbm>>)
    %rem3A_209 = arith.constant 28 : i32
    %rem3A_210 = arith.constant 8 : i32
    %rem3A_211 = arith.remsi %rem3A_209, %rem3A_210 : i32
    %mul3A_212 = arith.constant 8 : i32
    %mul3A_213 = arith.muli %rem3A_211, %mul3A_212 : i32
    %add3A_214 = arith.constant 224 : i32
    %add3A_215 = arith.addi %mul3A_2, %add3A_214 : i32
    %dma_wait3A_216 = arith.constant 0 : i32
    %dma_wait3A_217 = tpu.memref_slice %arg5[%mul3A_213, %dma_wait3A_216] : memref<64x1024xf32, #tpu.memory_space<vmem>> -> memref<8x1024xf32, #tpu.memory_space<vmem>>
    %dma_wait3A_218 = arith.constant 0 : i32
    %dma_wait3A_219 = tpu.memref_slice %arg3[%add3A_215, %dma_wait3A_218] : memref<8192x1024xf32, #tpu.memory_space<hbm>> -> memref<8x1024xf32, #tpu.memory_space<hbm>>
    %dma_wait3A_220 = tpu.memref_slice %arg7[%rem3A_211] : memref<8x!tpu.dma_semaphore, #tpu.memory_space<semaphore_mem>> -> memref<1x!tpu.dma_semaphore, #tpu.memory_space<semaphore_mem>>
    %dma_wait3A_221 = tpu.memref_squeeze %dma_wait3A_220 : memref<1x!tpu.dma_semaphore, #tpu.memory_space<semaphore_mem>> -> memref<!tpu.dma_semaphore, #tpu.memory_space<semaphore_mem>>
    %dma_wait3A_222 = arith.constant 0 : i32
    %dma_wait3A_223 = tpu.memref_slice %arg3[%add3A_215, %dma_wait3A_222] : memref<8192x1024xf32, #tpu.memory_space<hbm>> -> memref<8x1024xf32, #tpu.memory_space<hbm>>
    %dma_wait3A_224 = arith.constant 0 : i32
    %dma_wait3A_225 = tpu.memref_slice %arg5[%mul3A_213, %dma_wait3A_224] : memref<64x1024xf32, #tpu.memory_space<vmem>> -> memref<8x1024xf32, #tpu.memory_space<vmem>>
    tpu.wait_dma2 semaphore(%dma_wait3A_221 : memref<!tpu.dma_semaphore, #tpu.memory_space<semaphore_mem>>) src(%dma_wait3A_225 : memref<8x1024xf32, #tpu.memory_space<vmem>>) dst(%dma_wait3A_223 : memref<8x1024xf32, #tpu.memory_space<hbm>>)
    %rem3A_226 = arith.constant 29 : i32
    %rem3A_227 = arith.constant 8 : i32
    %rem3A_228 = arith.remsi %rem3A_226, %rem3A_227 : i32
    %mul3A_229 = arith.constant 8 : i32
    %mul3A_230 = arith.muli %rem3A_228, %mul3A_229 : i32
    %add3A_231 = arith.constant 232 : i32
    %add3A_232 = arith.addi %mul3A_2, %add3A_231 : i32
    %dma_wait3A_233 = arith.constant 0 : i32
    %dma_wait3A_234 = tpu.memref_slice %arg5[%mul3A_230, %dma_wait3A_233] : memref<64x1024xf32, #tpu.memory_space<vmem>> -> memref<8x1024xf32, #tpu.memory_space<vmem>>
    %dma_wait3A_235 = arith.constant 0 : i32
    %dma_wait3A_236 = tpu.memref_slice %arg3[%add3A_232, %dma_wait3A_235] : memref<8192x1024xf32, #tpu.memory_space<hbm>> -> memref<8x1024xf32, #tpu.memory_space<hbm>>
    %dma_wait3A_237 = tpu.memref_slice %arg7[%rem3A_228] : memref<8x!tpu.dma_semaphore, #tpu.memory_space<semaphore_mem>> -> memref<1x!tpu.dma_semaphore, #tpu.memory_space<semaphore_mem>>
    %dma_wait3A_238 = tpu.memref_squeeze %dma_wait3A_237 : memref<1x!tpu.dma_semaphore, #tpu.memory_space<semaphore_mem>> -> memref<!tpu.dma_semaphore, #tpu.memory_space<semaphore_mem>>
    %dma_wait3A_239 = arith.constant 0 : i32
    %dma_wait3A_240 = tpu.memref_slice %arg3[%add3A_232, %dma_wait3A_239] : memref<8192x1024xf32, #tpu.memory_space<hbm>> -> memref<8x1024xf32, #tpu.memory_space<hbm>>
    %dma_wait3A_241 = arith.constant 0 : i32
    %dma_wait3A_242 = tpu.memref_slice %arg5[%mul3A_230, %dma_wait3A_241] : memref<64x1024xf32, #tpu.memory_space<vmem>> -> memref<8x1024xf32, #tpu.memory_space<vmem>>
    tpu.wait_dma2 semaphore(%dma_wait3A_238 : memref<!tpu.dma_semaphore, #tpu.memory_space<semaphore_mem>>) src(%dma_wait3A_242 : memref<8x1024xf32, #tpu.memory_space<vmem>>) dst(%dma_wait3A_240 : memref<8x1024xf32, #tpu.memory_space<hbm>>)
    %rem3A_243 = arith.constant 30 : i32
    %rem3A_244 = arith.constant 8 : i32
    %rem3A_245 = arith.remsi %rem3A_243, %rem3A_244 : i32
    %mul3A_246 = arith.constant 8 : i32
    %mul3A_247 = arith.muli %rem3A_245, %mul3A_246 : i32
    %add3A_248 = arith.constant 240 : i32
    %add3A_249 = arith.addi %mul3A_2, %add3A_248 : i32
    %dma_wait3A_250 = arith.constant 0 : i32
    %dma_wait3A_251 = tpu.memref_slice %arg5[%mul3A_247, %dma_wait3A_250] : memref<64x1024xf32, #tpu.memory_space<vmem>> -> memref<8x1024xf32, #tpu.memory_space<vmem>>
    %dma_wait3A_252 = arith.constant 0 : i32
    %dma_wait3A_253 = tpu.memref_slice %arg3[%add3A_249, %dma_wait3A_252] : memref<8192x1024xf32, #tpu.memory_space<hbm>> -> memref<8x1024xf32, #tpu.memory_space<hbm>>
    %dma_wait3A_254 = tpu.memref_slice %arg7[%rem3A_245] : memref<8x!tpu.dma_semaphore, #tpu.memory_space<semaphore_mem>> -> memref<1x!tpu.dma_semaphore, #tpu.memory_space<semaphore_mem>>
    %dma_wait3A_255 = tpu.memref_squeeze %dma_wait3A_254 : memref<1x!tpu.dma_semaphore, #tpu.memory_space<semaphore_mem>> -> memref<!tpu.dma_semaphore, #tpu.memory_space<semaphore_mem>>
    %dma_wait3A_256 = arith.constant 0 : i32
    %dma_wait3A_257 = tpu.memref_slice %arg3[%add3A_249, %dma_wait3A_256] : memref<8192x1024xf32, #tpu.memory_space<hbm>> -> memref<8x1024xf32, #tpu.memory_space<hbm>>
    %dma_wait3A_258 = arith.constant 0 : i32
    %dma_wait3A_259 = tpu.memref_slice %arg5[%mul3A_247, %dma_wait3A_258] : memref<64x1024xf32, #tpu.memory_space<vmem>> -> memref<8x1024xf32, #tpu.memory_space<vmem>>
    tpu.wait_dma2 semaphore(%dma_wait3A_255 : memref<!tpu.dma_semaphore, #tpu.memory_space<semaphore_mem>>) src(%dma_wait3A_259 : memref<8x1024xf32, #tpu.memory_space<vmem>>) dst(%dma_wait3A_257 : memref<8x1024xf32, #tpu.memory_space<hbm>>)
    %rem3A_260 = arith.constant 31 : i32
    %rem3A_261 = arith.constant 8 : i32
    %rem3A_262 = arith.remsi %rem3A_260, %rem3A_261 : i32
    %mul3A_263 = arith.constant 8 : i32
    %mul3A_264 = arith.muli %rem3A_262, %mul3A_263 : i32
    %add3A_265 = arith.constant 248 : i32
    %add3A_266 = arith.addi %mul3A_2, %add3A_265 : i32
    %dma_wait3A_267 = arith.constant 0 : i32
    %dma_wait3A_268 = tpu.memref_slice %arg5[%mul3A_264, %dma_wait3A_267] : memref<64x1024xf32, #tpu.memory_space<vmem>> -> memref<8x1024xf32, #tpu.memory_space<vmem>>
    %dma_wait3A_269 = arith.constant 0 : i32
    %dma_wait3A_270 = tpu.memref_slice %arg3[%add3A_266, %dma_wait3A_269] : memref<8192x1024xf32, #tpu.memory_space<hbm>> -> memref<8x1024xf32, #tpu.memory_space<hbm>>
    %dma_wait3A_271 = tpu.memref_slice %arg7[%rem3A_262] : memref<8x!tpu.dma_semaphore, #tpu.memory_space<semaphore_mem>> -> memref<1x!tpu.dma_semaphore, #tpu.memory_space<semaphore_mem>>
    %dma_wait3A_272 = tpu.memref_squeeze %dma_wait3A_271 : memref<1x!tpu.dma_semaphore, #tpu.memory_space<semaphore_mem>> -> memref<!tpu.dma_semaphore, #tpu.memory_space<semaphore_mem>>
    %dma_wait3A_273 = arith.constant 0 : i32
    %dma_wait3A_274 = tpu.memref_slice %arg3[%add3A_266, %dma_wait3A_273] : memref<8192x1024xf32, #tpu.memory_space<hbm>> -> memref<8x1024xf32, #tpu.memory_space<hbm>>
    %dma_wait3A_275 = arith.constant 0 : i32
    %dma_wait3A_276 = tpu.memref_slice %arg5[%mul3A_264, %dma_wait3A_275] : memref<64x1024xf32, #tpu.memory_space<vmem>> -> memref<8x1024xf32, #tpu.memory_space<vmem>>
    tpu.wait_dma2 semaphore(%dma_wait3A_272 : memref<!tpu.dma_semaphore, #tpu.memory_space<semaphore_mem>>) src(%dma_wait3A_276 : memref<8x1024xf32, #tpu.memory_space<vmem>>) dst(%dma_wait3A_274 : memref<8x1024xf32, #tpu.memory_space<hbm>>)
    return
  }
}

</mosaic_0001>

<sc_bundles>
// kernel: kernel.3.cloned.1.call-start
scs
__scs_entry_jumppad:
0x0: {  	(pc) =	sbr.rel $0x88, $3  }
0x1: {  	(tag) =	ssettag $0x0;
	lr =	simm.s32 $0x1  }
0x2: {  	[smem:$0x3FA0] =	sst lr;
	_ =	strace $0xD0000000  }
0x3: {  	_ = 	snop  }
0x4: {  	_ = 	snop  }
0x5: {  	_ = 	snop  }
0x6: {  	_ = 	snop  }
0x7: {  	_ = 	snop  }
__scs_overlays_trampoline_lowered:
0x8: {  	[smem:$0x3FAF] =	sst s0  }
0x9: {  	[smem:$0x3FB0] =	sst s1  }
0xa: {  	[smem:$0x3FB1] =	sst s2  }
0xb: {  	[smem:$0x3FB2] =	sst s3  }
0xc: {  	[smem:$0x3FB3] =	sst s4  }
0xd: {  	[smem:$0x3FB4] =	sst s5  }
0xe: {  	[smem:$0x3FB5] =	sst s6  }
0xf: {  	[smem:$0x3FB6] =	sst s7  }
0x10: {  	[smem:$0x3FB7] =	sst s8  }
0x11: {  	[smem:$0x3FB8] =	sst s9;
	s0 =	simm.s32 @!p0 $0x0  }
0x12: {  	s1 =	sld [smem:$0x3F9E];
	s0 =	simm.s32 @p0 $0x1  }
0x13: {  	[smem:$0x3FB9] =	sst s0;
	s0 =	simm.s32 @!p1 $0x0  }
0x14: {  	s2 =	sld [smem:$0x3F9D];
	s0 =	simm.s32 @p1 $0x1  }
0x15: {  	[smem:$0x3FBA] =	sst s0;
	s0 =	simm.s32 @!p2 $0x0  }
0x16: {  	s3 =	sld [smem:$0x3FDB];
	s0 =	simm.s32 @p2 $0x1  }
0x17: {  	s4 =	simm.s32 $0x1BF5;
	[smem:$0x3FBC] =	sst s0  }
0x18: {  	s0 =	sld [smem:$0x3F9F];
	_ =	swait.ge [sflag:s4], $0x0  }
0x19: {  	s7 =	sld [smem:$0x3FA0]  }
0x1a: {  	s8 =	sadd.s32 $0xFFFFE003, lr  }
0x1b: {  	s9 =	sadd.s32 $0xFFFFFEF7, lr;
	s5 =	simm.s32 $0xFFFFFFFF;
	p2 =	slt.u32 s8, $0xFFFFF086  }
0x1c: {  	p1 =	slt.u32 s9, $0xF7A;
	s5 =	simm.s32 @!p2 $0x0  }
0x1d: {  	s5 =	simm.s32 @p1 $0x1;
	p0 =	seq.s32 s7, s2  }
0x1e: {  	s7 =	smul.u32 @!p0 $0xF7A, s2;
	p2 =	seq.s32 @!p0 s5, $0x0  }
0x1f: {  	s9 =	smul.u32 $0xF7A, s1;
	s8 =	simm.s32 @!p0 $0x1BF5;
	p2 =	por !p2, p0  }
0x20: {  	[sflag:s8] =	ssyncset.s32 @!p0 $0xFFFFF086;
	s6 =	sadd.s32 @!p0 s3, s7;
	s7 =	simm.s32 @!p0 $0x108  }
0x21: {  	s3 =	sadd.s32 s3, s9;
	s6 =	sadd.s32 @!p0 $0x88, s6;
	s7 =	simm.s32 @p2 $0x1082  }
0x22: {  	[simem:s7], [sflag:s8] =	dma.local @!p0 [hbm:s6], $0xF7A  }
0x23: {  	s9 =	sor.u32 $0xD0000000, s2;
	s6 =	simm.s32 $0x108;
	_ =	swait.ge @!p0 [sflag:s8], $0x0  }
0x24: {  	s3 =	sadd.s32 $0x88, s3;
	s6 =	simm.s32 @!p1 $0x1082;
	[sflag:s4] =	ssyncset.s32 $0xFFFFF086  }
0x25: {  	[simem:s6], [sflag:s4] =	dma.local [hbm:s3], $0xF7A  }
0x26: {  	[smem:$0x3FA0] =	sst s1;
	(tag) =	ssettag s2;
	_ =	strace s9  }
0x27: {  	s1 =	sld [smem:$0x3FB0]  }
0x28: {  	s2 =	sld [smem:$0x3FB1]  }
0x29: {  	s4 =	sld [smem:$0x3FB3]  }
0x2a: {  	p0 =	seq.s32 s5, $0x0;
	s5 =	sld [smem:$0x3FB4]  }
0x2b: {  	s6 =	sld [smem:$0x3FB5]  }
0x2c: {  	s7 =	sld [smem:$0x3FB6]  }
0x2d: {  	s3 =	simm.s32 $0x108;
	s8 =	sld [smem:$0x3FB7]  }
0x2e: {  	s3 =	simm.s32 @!p0 $0x1082;
	s9 =	sld [smem:$0x3FB8]  }
0x2f: {  	lr =	sadd.s32 s0, s3;
	s0 =	sld [smem:$0x3FAF]  }
0x30: {  	s3 =	sld [smem:$0x3FB2]  }
0x31: {  	[smem:$0x3FBB] =	sst s10  }
0x32: {  	s10 =	sld [smem:$0x3FB9];
	_ =	sdelay $0x3  }
0x33: {  	p0 =	seq.s32 s10, $0x1;
	s10 =	sld [smem:$0x3FBB];
	_ =	sdelay $0x3  }
0x34: {  	[smem:$0x3FBB] =	sst s10  }
0x35: {  	s10 =	sld [smem:$0x3FBA];
	_ =	sdelay $0x3  }
0x36: {  	p1 =	seq.s32 s10, $0x1;
	s10 =	sld [smem:$0x3FBB];
	_ =	sdelay $0x3  }
0x37: {  	[smem:$0x3FBB] =	sst s10  }
0x38: {  	s10 =	sld [smem:$0x3FBC]  }
0x39: {  	_ = 	snop;
	(pc) =	sbr.ind lr, $3  }
0x3a: {  	_ = 	snop  }
0x3b: {  	_ = 	snop  }
0x3c: {  	p2 =	seq.s32 s10, $0x1;
	s10 =	sld [smem:$0x3FBB]  }
0x3d: {  	_ =	shalt  }
0x3e: {  	_ =	shalt  }
0x3f: {  	_ =	shalt  }
0x40: {  	_ =	shalt  }
0x41: {  	_ =	shalt  }
0x42: {  	_ =	shalt  }
0x43: {  	_ =	shalt  }
0x44: {  	_ =	shalt  }
0x45: {  	_ =	shalt  }
0x46: {  	_ =	shalt  }
0x47: {  	_ =	shalt  }
0x48: {  	_ =	shalt  }
0x49: {  	_ =	shalt  }
0x4a: {  	_ =	shalt  }
0x4b: {  	_ =	shalt  }
0x4c: {  	_ =	shalt  }
0x4d: {  	_ =	shalt  }
0x4e: {  	_ =	shalt  }
0x4f: {  	_ =	shalt  }
0x50: {  	_ =	shalt  }
0x51: {  	_ =	shalt  }
0x52: {  	_ =	shalt  }
0x53: {  	_ =	shalt  }
0x54: {  	_ =	shalt  }
0x55: {  	_ =	shalt  }
0x56: {  	_ =	shalt  }
0x57: {  	_ =	shalt  }
0x58: {  	_ =	shalt  }
0x59: {  	_ =	shalt  }
0x5a: {  	_ =	shalt  }
0x5b: {  	_ =	shalt  }
0x5c: {  	_ =	shalt  }
0x5d: {  	_ =	shalt  }
0x5e: {  	_ =	shalt  }
0x5f: {  	_ =	shalt  }
0x60: {  	_ =	shalt  }
0x61: {  	_ =	shalt  }
0x62: {  	_ =	shalt  }
0x63: {  	_ =	shalt  }
0x64: {  	_ =	shalt  }
0x65: {  	_ =	shalt  }
0x66: {  	_ =	shalt  }
0x67: {  	_ =	shalt  }
0x68: {  	_ =	shalt  }
0x69: {  	_ =	shalt  }
0x6a: {  	_ =	shalt  }
0x6b: {  	_ =	shalt  }
0x6c: {  	_ =	shalt  }
0x6d: {  	_ =	shalt  }
0x6e: {  	_ =	shalt  }
0x6f: {  	_ =	shalt  }
0x70: {  	_ =	shalt  }
0x71: {  	_ =	shalt  }
0x72: {  	_ =	shalt  }
0x73: {  	_ =	shalt  }
0x74: {  	_ =	shalt  }
0x75: {  	_ =	shalt  }
0x76: {  	_ =	shalt  }
0x77: {  	_ =	shalt  }
0x78: {  	_ =	shalt  }
0x79: {  	_ =	shalt  }
0x7a: {  	_ =	shalt  }
0x7b: {  	_ =	shalt  }
0x7c: {  	_ =	shalt  }
0x7d: {  	_ =	shalt  }
0x7e: {  	_ =	shalt  }
0x7f: {  	_ =	shalt  }
0x80: {  	_ =	shalt  }
0x81: {  	_ =	shalt  }
0x82: {  	_ =	shalt  }
0x83: {  	_ =	shalt  }
0x84: {  	_ =	shalt  }
0x85: {  	_ =	shalt  }
0x86: {  	_ =	shalt  }
0x87: {  	_ =	shalt  }
.Lfunc_end0:
.L_simem_size_0:
called_computation_lowered:
.L_overlay_start_0:
0x88: {  	s2 =	sld [smem:$0x3FD9]  }
0x89: {  	s3 =	sld [smem:$0x3FFE];
	_ =	sdelay $0x1  }
0x8a: {  	s1 =	srdreg.scid  }
0x8b: {  	s0 =	sand.u32 $0x1, s1  }
0x8c: {  	s18 =	sshll.u32 s0, $0xA;
	s2 =	sadd.s32 s3, s2  }
0x8d: {  	s2 =	sadd.s32 s2, s18  }
0x8e: {  	[smem:$0x3FC7] =	sst s2  }
0x8f: {  	_ = 	snop  }
0x90: {  	s2 =	sld [smem:$0x3FC9]  }
0x91: {  	s19 =	sld [smem:$0x3FD0];
	(tm) =	ssettm $0x1  }
0x92: {  	s4 =	sld [smem:$0x3FFB];
	_ =	sdelay $0x3  }
0x93: {  	_ =	strace s4  }
0x94: {  	s4 =	sld [smem:$0x3FFC];
	_ =	sdelay $0x3  }
0x95: {  	_ =	strace s4  }
0x96: {  	s4 =	sld [smem:$0x3FFD];
	_ =	sdelay $0x3  }
0x97: {  	_ =	strace s4  }
0x98: {  	_ =	strace $0x8FFFFFFF  }
0x99: {  	s20 =	sld [smem:$0x3FDB];
	_ =	sdelay $0x1  }
0x9a: {  	s5 =	simm.s32 $_scs_section_size  }
0x9b: {  	s6 =	simm.s32 $_size__tile_overlayer_lowered;
	s7 =	simm.s32 $_tile_overlayer_lowered  }
0x9c: {  	s23 =	simm.s32 $0x1BFF;
	s22 =	sshll.u32 s7, $0x1;
	s4 =	sadd.s32 s5, s20  }
0x9d: {  	s8 =	simm.s32 $0x0;
	s21 =	sshll.u32 s6, $0x1;
	s6 =	sadd.s32 s22, s4  }
0x9e: {  	[timem:s8], [sflag:s23] =	dma.local [hbm:s6], s21  }
0x9f: {  	_ =	swait.ge [sflag:s23], s21  }
0xa0: {  	s5 =	ssub.s32 $0x0, s21;
	[sflag:s23] =	ssyncset.done $0x0  }
0xa1: {  	[sflag:s23] =	ssyncadd.s32 s5;
	_ =	sdelay $0x1  }
0xa2: {  	s24 =	simm.s32 $0x1B8B  }
0xa3: {  	_ =	swait.ge [sflag:s24], $0x1  }
0xa4: {  	[sflag:s24] =	ssyncset.done $0x0  }
0xa5: {  	s25 =	simm.s32 $0x1B8E;
	[sflag:s24] =	ssyncadd.s32 $0xFFFFFFFF  }
0xa6: {  	s26 =	simm.s32 $execute0_lowered;
	[smem:$0x3FD2] =	sst s25  }
0xa7: {  	s5 =	sshll.u32 s26, $0x1;
	_ =	strace $0x80000046;
	[dreg:$0x1] =	wrdreg $0xFFFFFFFF  }
0xa8: {  	s28 =	simm.s32 $_size_execute0_lowered;
	s4 =	sadd.s32 s4, s5;
	[dreg:$0x0] =	wrdreg $0x0  }
0xa9: {  	s5 =	sshll.u32 s28, $0x1;
	[dreg:$0x2] =	wrdreg s4  }
0xaa: {  	[dreg:$0x3] =	wrdreg s5  }
0xab: {  	[dreg:$0x4] =	wrdreg $0xC0  }
0xac: {  	_ =	task [dreg:s8], $0x5FFFF  }
0xad: {  	[dreg:$0x1] =	wrdreg $0xFFFFFFFF  }
0xae: {  	[dreg:$0x0] =	wrdreg $0x60  }
0xaf: {  	[dreg:$0x2] =	wrdreg s2  }
0xb0: {  	[dreg:$0x3] =	wrdreg s19  }
0xb1: {  	[dreg:$0x4] =	wrdreg $0x9  }
0xb2: {  	_ =	task.clear_ibuf [dreg:s8], $0x5FFFF;
	_ =	strace $0x90000046  }
0xb3: {  	s29 =	simm.s32 $0x9;
	_ =	strace $0x80000048  }
0xb4: {  	_ =	swait.ge [sflag:s29], $0x1  }
0xb5: {  	[sflag:s29] =	ssyncadd.s32 $0xFFFFFFFF  }
0xb6: {  	_ =	strace $0x90000048  }
0xb7: {  	_ =	sfence  }
0xb8: {  	s30 =	sld [smem:$0x0];
	_ =	sdelay $0x2  }
0xb9: {  	s31 =	sshll.u32 s1, $0xD;
	s1 =	sshrl.u32 s1, $0x2  }
0xba: {  	s3 =	sand.u32 $0x4000, s31;
	s1 =	sadd.s32 s1, s30  }
0xbb: {  	s0 =	sor.u32 s3, s0;
	s1 =	sshll.u32 s1, $0x11  }
0xbc: {  	s0 =	sor.u32 s1, s0  }
0xbd: {  	s0 =	sadd.s32 $0x8F2B, s0  }
0xbe: {  	[sflag:s0] =	ssyncadd.remote.s32 $0x1  }
0xbf: {  	_ =	sfence.sel $0xFFFF  }
0xc0: {  	[dreg:$0x0] =	wrdreg $0xFFFFFFFF;
	(pc) =	sbr.abs _section_cstart, $3  }
0xc1: {  	[dreg:$0x1] =	wrdreg $0xFFFFFFFF  }
0xc2: {  	_ =	task.clear_ibuf [dreg:s8], $0x2FFFF;
	_ =	strace $0x9FFFFFFF  }
0xc3: {  	(tm) =	ssettm $0x7FFFFFFF  }
tec
execute0_lowered:
.L_overlay_start_1:
0x0: {  	(tag) =	ssettag $0x1  }
0x1: {  	s0 =	srdreg.scid  }
0x2: {  	s1 =	stileid.u32;
	s0 =	sand.u32 $0x1, s0  }
0x3: {  	s2 =	rddreg [dreg:$0x0];
	s1 =	sshll.u32 s1, $0x9;
	s5 =	sshll.u32 s0, $0x8  }
0x4: {  	s3 =	rddreg [dreg:$0x1];
	s0 =	ssub.s32 $0x2, s0;
	s1 =	sor.u32 s5, s1  }
0x5: {  	s4 =	simm.s32 $0x0;
	s6 =	sshrl.u32 s0, $0x1;
	s5 =	sshll.u32 s1, $0x7  }
0x6: {  	[smem:$0x7FF] =	sst s4;
	s0 =	ssub.s32 s0, s6;
	s5 =	sadd.s32 s2, s5  }
0x7: {  	_ =	strace $0x80000047;
	s0 =	smax.u32 s0, $0x1;
	[dreg:$0x3] =	wrdreg s5  }
0x8: {  	s22 =	sadd.s32 $0x400, s5;
	[dreg:$0xb] =	wrdreg s0  }
0x9: {  	s23 =	sadd.s32 $0x800, s5;
	[dreg:$0x4] =	wrdreg s22  }
0xa: {  	s24 =	sadd.s32 $0xC00, s5;
	[dreg:$0x5] =	wrdreg s23  }
0xb: {  	s29 =	simm.s32 $0xE;
	s25 =	sadd.s32 $0x1000, s5;
	[dreg:$0x6] =	wrdreg s24  }
0xc: {  	s30 =	simm.s32 $0xF;
	s26 =	sadd.s32 $0x1400, s5;
	[dreg:$0x7] =	wrdreg s25  }
0xd: {  	s31 =	simm.s32 $0x10;
	s28 =	sadd.s32 $0x1800, s5;
	[dreg:$0x8] =	wrdreg s26  }
0xe: {  	s13 =	sshrl.u32 s1, $0x3;
	s5 =	sadd.s32 $0x1C00, s5;
	[dreg:$0x9] =	wrdreg s28  }
0xf: {  	s1 =	simm.s32 $0x0;
	s14 =	sor.u32 $0x8, s13;
	[dreg:$0xa] =	wrdreg s5  }
.LBB2_1:
0x10: {  	s0 =	rddreg [dreg:$0x3]  }
0x11: {  	[tilespmem:s4], [sflag:$0x1] =	stream.linear.gather [hbm4b:s0+s4], $0x2000, $0x38;
	v63 =	vld [tilespmem:$0x0]  }
0x12: {  	s15 =	rddreg [dreg:$0x4];
	s5 =	simm.s32 $0x2000  }
0x13: {  	[tilespmem:s5], [sflag:$0x2] =	stream.linear.gather [hbm4b:s15+s4], $0x2000, $0x38;
	v63 =	vld [tilespmem:$0x0]  }
0x14: {  	s16 =	rddreg [dreg:$0x5];
	s17 =	simm.s32 $0x4000  }
0x15: {  	[tilespmem:s17], [sflag:$0x3] =	stream.linear.gather [hbm4b:s16+s4], $0x2000, $0x38;
	v63 =	vld [tilespmem:$0x0]  }
0x16: {  	s18 =	rddreg [dreg:$0x6];
	s19 =	simm.s32 $0x6000  }
0x17: {  	[tilespmem:s19], [sflag:$0x4] =	stream.linear.gather [hbm4b:s18+s4], $0x2000, $0x38;
	v63 =	vld [tilespmem:$0x0]  }
0x18: {  	s20 =	rddreg [dreg:$0x7];
	s21 =	simm.s32 $0x8000  }
0x19: {  	[tilespmem:s21], [sflag:$0x5] =	stream.linear.gather [hbm4b:s20+s4], $0x2000, $0x38;
	v63 =	vld [tilespmem:$0x0]  }
0x1a: {  	s22 =	rddreg [dreg:$0x8];
	s23 =	simm.s32 $0xA000  }
0x1b: {  	[tilespmem:s23], [sflag:$0x6] =	stream.linear.gather [hbm4b:s22+s4], $0x2000, $0x38;
	v63 =	vld [tilespmem:$0x0]  }
0x1c: {  	s24 =	rddreg [dreg:$0x9];
	s25 =	simm.s32 $0xC000  }
0x1d: {  	[tilespmem:s25], [sflag:$0x7] =	stream.linear.gather [hbm4b:s24+s4], $0x2000, $0x38;
	v63 =	vld [tilespmem:$0x0]  }
0x1e: {  	s26 =	rddreg [dreg:$0xa];
	s28 =	simm.s32 $0xE000;
	s0 =	simm.s32 $0x0  }
0x1f: {  	[tilespmem:s28], [sflag:$0x8] =	stream.linear.gather [hbm4b:s26+s4], $0x2000, $0x38;
	v63 =	vld [tilespmem:$0x0]  }
.LBB2_2:
0x20: {  	s17 =	sand.u32 $0x7, s0  }
0x21: {  	s16 =	sadd.s32 $0x1, s17  }
0x22: {  	p0 =	slt.u32 s0, $0x8;
	_ =	swait.ge [sflag:s16], $0x2000  }
0x23: {  	s5 =	simm.s32 $0x0;
	s6 =	sadd.s32 @!p0 $0x9, s17;
	[sflag:s16] =	ssyncset.done $0x0  }
0x24: {  	s19 =	sshll.u32 s17, $0xD;
	s7 =	sand.u32 $0x1C00, s5;
	[sflag:s16] =	ssyncadd.s32 $0xFFFFE000  }
0x25: {  	s7 =	sor.u32 s19, s7;
	_ =	swait.ge @!p0 [sflag:s6], $0x2000  }
0x26: {  	s8 =	sand.u32 $0x380, s5;
	s5 =	sor.u32 s7, s5;
	[sflag:s6] =	ssyncset.done @!p0 $0x0  }
0x27: {  	s18 =	sor.u32 s8, s7;
	s5 =	sor.u32 $0x70, s5;
	[sflag:s6] =	ssyncadd.s32 @!p0 $0xFFFFE000  }
0x28: {  	s20 =	sor.u32 $0x10, s18;
	v0 =	vld [tilespmem:s5+$0x0]  }
0x29: {  	s22 =	simm.s32 $0x400;
	s7 =	sor.u32 $0x20, s18;
	v1 =	vld [tilespmem:s20+$0x0]  }
0x2a: {  	s8 =	sor.u32 $0x30, s18;
	s21 =	sor.u32 $0x40, s18;
	s9 =	sor.u32 $0x50, s18;
	v2 =	vld [tilespmem:s7+$0x0]  }
0x2b: {  	s10 =	sor.u32 $0x60, s18;
	s11 =	sor.u32 $0x10010, s18;
	s12 =	sor.u32 $0x10020, s18;
	v3 =	vld [tilespmem:s8+$0x0]  }
0x2c: {  	s24 =	sor.u32 $0x10030, s18;
	s26 =	sor.u32 $0x10040, s18;
	s7 =	sand.u32 $0x1C00, s22;
	v4 =	vld [tilespmem:s21+$0x0]  }
0x2d: {  	s6 =	simm.s32 $0x10;
	s21 =	sor.u32 $0x10050, s18;
	v5 =	vld [tilespmem:s9+$0x0];
	s15 =	sor.u32 s19, s7;
	v6 =	vmul.f32 $3.125000000e-02, v0  }
0x2e: {  	s23 =	sand.u32 $0x380, s6;
	v7 =	vld [tilespmem:s10+$0x0];
	s8 =	sor.u32 $0x10060, s18;
	s22 =	sor.u32 s15, s6;
	v1 =	vmul.f32 $3.125000000e-02, v1  }
0x2f: {  	s7 =	simm.s32 $0x8;
	s20 =	sor.u32 s23, s15;
	s22 =	sor.u32 $0x70, s22;
	v0 =	vld [tilespmem:s18+$0x0];
	v8 =	vmul.f32 $3.125000000e-02, v2;
	[tilespmem:s5+$0x10000] =	vst v6  }
0x30: {  	s25 =	sor.u32 $0x10, s20;
	s9 =	sor.u32 $0x20, s20;
	s28 =	sor.u32 $0x30, s20;
	v2 =	vld [tilespmem:s22+$0x0];
	v3 =	vmul.f32 $3.125000000e-02, v3;
	[tilespmem:s11+$0x0] =	vst v1  }
0x31: {  	s23 =	sor.u32 $0x50, s20;
	s15 =	sor.u32 $0x60, s20;
	s10 =	sor.u32 $0x10040, s20;
	v1 =	vld [tilespmem:s25+$0x0];
	[tilespmem:s12+$0x0] =	vst v8;
	v6 =	vmul.f32 $3.125000000e-02, v4  }
0x32: {  	s25 =	sor.u32 $0x40, s20;
	s12 =	sor.u32 $0x10010, s20;
	v4 =	vld [tilespmem:s9+$0x0];
	s11 =	sor.u32 $0x10020, s20;
	[tilespmem:s24+$0x0] =	vst v3  }
0x33: {  	v5 =	vmul.f32 $3.125000000e-02, v5;
	s9 =	sor.u32 $0x10030, s20;
	v3 =	vld [tilespmem:s28+$0x0];
	s24 =	sor.u32 $0x10050, s20;
	s5 =	simm.s32 $0x800;
	[tilespmem:s26+$0x0] =	vst v6;
	v6 =	vmul.f32 $3.125000000e-02, v7  }
.LBB2_3:
0x34: {  	s26 =	sand.u32 $0x1C00, s5;
	s7 =	sadd.s32 $0x8, s7;
	v7 =	vld [tilespmem:s25+$0x0];
	s25 =	sor.u32 $0x10060, s20  }
0x35: {  	v0 =	vmul.f32 $3.125000000e-02, v0;
	[tilespmem:s21+$0x0] =	vst v5;
	s28 =	smov.u32 s18;
	s18 =	smov.u32 s20;
	s21 =	smov.u32 s24  }
0x36: {  	s6 =	sadd.s32 $0x10, s6;
	s20 =	sor.u32 s19, s26;
	p0 =	slt.u32 s7, $0x1F8;
	v5 =	vld [tilespmem:s23+$0x0];
	v2 =	vmul.f32 $3.125000000e-02, v2;
	[tilespmem:s8+$0x0] =	vst v6  }
0x37: {  	s23 =	sand.u32 $0x380, s6;
	s8 =	smov.u32 s25;
	s24 =	sor.u32 s20, s6;
	v1 =	vmul.f32 $3.125000000e-02, v1;
	v6 =	vld [tilespmem:s15+$0x0];
	[tilespmem:s28+$0x10000] =	vst v0  }
.Ltmp0:
0x38: {  	s20 =	sor.u32 s23, s20;
	v0 =	vld [tilespmem:s18+$0x0];
	v4 =	vmul.f32 $3.125000000e-02, v4;
	[tilespmem:s22+$0x10000] =	vst v2;
	s22 =	sor.u32 $0x70, s24;
	(pc) =	sbr.rel @p0 .LBB2_3-.Ltmp0, $4  }
0x39: {  	s15 =	sor.u32 $0x10, s20;
	s24 =	sor.u32 $0x20, s20;
	s26 =	sor.u32 $0x30, s20;
	v2 =	vld [tilespmem:s22+$0x0];
	[tilespmem:s12+$0x0] =	vst v1;
	v3 =	vmul.f32 $3.125000000e-02, v3  }
0x3a: {  	s25 =	sor.u32 $0x40, s20;
	s23 =	sor.u32 $0x50, s20;
	v1 =	vld [tilespmem:s15+$0x0];
	s15 =	sor.u32 $0x60, s20;
	[tilespmem:s11+$0x0] =	vst v4;
	v7 =	vmul.f32 $3.125000000e-02, v7  }
0x3b: {  	s12 =	sor.u32 $0x10010, s20;
	s11 =	sor.u32 $0x10020, s20;
	v4 =	vld [tilespmem:s24+$0x0];
	[tilespmem:s9+$0x0] =	vst v3;
	s9 =	sor.u32 $0x10030, s20;
	v5 =	vmul.f32 $3.125000000e-02, v5  }
0x3c: {  	s5 =	sadd.s32 $0x400, s5;
	s24 =	sor.u32 $0x10050, s20;
	v3 =	vld [tilespmem:s26+$0x0];
	[tilespmem:s10+$0x0] =	vst v7;
	s10 =	sor.u32 $0x10040, s20;
	v6 =	vmul.f32 $3.125000000e-02, v6  }
0x3d: {  	v7 =	vld [tilespmem:s25+$0x0];
	v0 =	vmul.f32 $3.125000000e-02, v0;
	[tilespmem:s21+$0x0] =	vst v5  }
0x3e: {  	v56 =	vld [tilespmem:s23+$0x0];
	v2 =	vmul.f32 $3.125000000e-02, v2;
	[tilespmem:s8+$0x0] =	vst v6  }
0x3f: {  	v57 =	vld [tilespmem:s15+$0x0];
	v1 =	vmul.f32 $3.125000000e-02, v1;
	[tilespmem:s18+$0x10000] =	vst v0  }
0x40: {  	v58 =	vld [tilespmem:s20+$0x0];
	v4 =	vmul.f32 $3.125000000e-02, v4;
	[tilespmem:s22+$0x10000] =	vst v2  }
0x41: {  	[tilespmem:s12+$0x0] =	vst v1;
	v59 =	vmul.f32 $3.125000000e-02, v3  }
0x42: {  	[tilespmem:s11+$0x0] =	vst v4;
	v60 =	vmul.f32 $3.125000000e-02, v7  }
0x43: {  	v61 =	vmul.f32 $3.125000000e-02, v56;
	[tilespmem:s9+$0x0] =	vst v59  }
0x44: {  	v62 =	vmul.f32 $3.125000000e-02, v57;
	[tilespmem:s10+$0x0] =	vst v60  }
0x45: {  	s5 =	sor.u32 $0x10060, s20;
	s6 =	sshll.u32 s17, $0xF;
	s7 =	sadd.s32 s13, s0;
	v0 =	vmul.f32 $3.125000000e-02, v58;
	[tilespmem:s24+$0x0] =	vst v61  }
0x46: {  	s28 =	sadd.s32 $0x9, s17;
	s26 =	sshrl.u32 s6, $0x2;
	s7 =	sshll.u32 s7, $0xA;
	[tilespmem:s5+$0x0] =	vst v62  }
0x47: {  	p0 =	sgt.u32 s0, $0x17;
	s7 =	sadd.s32 s3, s7;
	[tilespmem:s20+$0x10000] =	vst v0;
	s5 =	sor.u32 $0x10000, s26  }
0x48: {  	[hbm4b:s7+s4] =	stream.linear.scatter [tilespmem:s5], [sflag:s28], $0x2000, $0x38;
	v63 =	vld [tilespmem:$0x0]  }
0x49: {  	s5 =	sadd.s32 @!p0 s0, s14  }
0x4a: {  	s6 =	sshrl.u32 @!p0 s6, $0x2;
	s5 =	sshll.u32 @!p0 s5, $0xA  }
0x4b: {  	s7 =	simm.s32 @!p0 $0x0;
	s0 =	sadd.s32 $0x1, s0;
	s5 =	sadd.s32 @!p0 s2, s5  }
0x4c: {  	[tilespmem:s6], [sflag:s16] =	stream.linear.gather @!p0 [hbm4b:s5+s7], $0x2000, $0x38;
	v63 =	vld [tilespmem:$0x0]  }
0x4d: {  	p0 =	sne.s32 s0, $0x20  }
.Ltmp1:
0x4e: {  	_ = 	snop;
	(pc) =	sbr.rel @p0 .LBB2_2-.Ltmp1, $1  }
0x4f: {  	_ =	sdelay $0x3  }
0x50: {  	s0 =	simm.s32 $0x9  }
0x51: {  	_ =	swait.ge [sflag:s0], $0x2000  }
0x52: {  	[sflag:s0] =	ssyncset.done $0x0  }
0x53: {  	s23 =	simm.s32 $0xA;
	[sflag:s0] =	ssyncadd.s32 $0xFFFFE000  }
0x54: {  	_ =	swait.ge [sflag:s23], $0x2000  }
0x55: {  	[sflag:s23] =	ssyncset.done $0x0  }
0x56: {  	s24 =	simm.s32 $0xB;
	[sflag:s23] =	ssyncadd.s32 $0xFFFFE000  }
0x57: {  	_ =	swait.ge [sflag:s24], $0x2000  }
0x58: {  	[sflag:s24] =	ssyncset.done $0x0  }
0x59: {  	s25 =	simm.s32 $0xC;
	[sflag:s24] =	ssyncadd.s32 $0xFFFFE000  }
0x5a: {  	_ =	swait.ge [sflag:s25], $0x2000  }
0x5b: {  	[sflag:s25] =	ssyncset.done $0x0  }
0x5c: {  	s26 =	simm.s32 $0xD;
	[sflag:s25] =	ssyncadd.s32 $0xFFFFE000  }
0x5d: {  	_ =	swait.ge [sflag:s26], $0x2000  }
0x5e: {  	[sflag:s26] =	ssyncset.done $0x0  }
0x5f: {  	[sflag:s26] =	ssyncadd.s32 $0xFFFFE000  }
0x60: {  	_ =	swait.ge [sflag:s29], $0x2000  }
0x61: {  	[sflag:s29] =	ssyncset.done $0x0  }
0x62: {  	[sflag:s29] =	ssyncadd.s32 $0xFFFFE000  }
0x63: {  	_ =	swait.ge [sflag:s30], $0x2000  }
0x64: {  	[sflag:s30] =	ssyncset.done $0x0  }
0x65: {  	[sflag:s30] =	ssyncadd.s32 $0xFFFFE000  }
0x66: {  	_ =	swait.ge [sflag:s31], $0x2000  }
0x67: {  	s1 =	sadd.s32 $0x1, s1;
	s28 =	rddreg [dreg:$0xb]  }
0x68: {  	p0 =	sne.s32 s1, s28  }
.Ltmp2:
0x69: {  	_ = 	snop;
	(pc) =	sbr.rel @p0 .LBB2_1-.Ltmp2, $3  }
0x6a: {  	_ =	sdelay $0x1  }
0x6b: {  	[sflag:s31] =	ssyncset.done $0x0  }
0x6c: {  	[sflag:s31] =	ssyncadd.s32 $0xFFFFE000  }
0x6d: {  	_ =	sfence.sel $0x180000  }
0x6e: {  	[bflag:$0x0] =	sbarrier.arrive $0xFFFF  }
0x6f: {  	_ =	strace $0x90000047  }
0x70: {  	s0 =	stileid.u32;
	[bflag:$0x2] =	sbarrier.arrive $0xFFFF  }
0x71: {  	p0 =	sne.s32 s0, $0x0;
	s0 =	rddreg [dreg:$0x2]  }
0x72: {  	s0 =	sadd.s32 @!p0 $0x100000, s0  }
0x73: {  	[sflag:s0] =	ssyncadd.tile.s32 @!p0 $0x1;
	_ =	shalt  }
.Lfunc_end2:
_tile_overlayer_lowered:
.L_overlay_start_2:
0x74: {  	(tag) =	ssettag $0x2  }
0x75: {  	s0 =	rddreg [dreg:$0x0];
	s2 =	stileid.u32  }
0x76: {  	s1 =	rddreg [dreg:$0x1];
	p0 =	sne.s32 s2, $0x0  }
0x77: {  	s3 =	rddreg [dreg:$0x2];
	[bflag:$0x3] =	sbarrier.arrive $0xFFFF;
	s2 =	simm.s32 @!p0 $0x1C11  }
0x78: {  	[timem:s3], [sflag:s2] =	dma.local @!p0 [hbm:s0], s1  }
0x79: {  	s0 =	simm.s32 @!p0 $0x11  }
0x7a: {  	_ =	swait.ge @!p0 [sflag:s0], s1  }
0x7b: {  	s1 =	ssub.s32 @!p0 $0x0, s1;
	[sflag:s0] =	ssyncset.done @!p0 $0x0  }
0x7c: {  	[sflag:s0] =	ssyncadd.s32 @!p0 s1  }
0x7d: {  	[bflag:$0x3] =	sbarrier.arrive $0xFFFF  }
0x7e: {  	_ =	shalt  }

</sc_bundles>
